<compile_context>
chip_gen: v7x
topology: tpu7x:2x2x1
jax: 0.10.2.dev20260603
libtpu: 0.0.44.dev20260713+nightly
codegen_flags: <defaults>
</compile_context>

<pallas_src>
import functools

import jax
import jax.numpy as jnp
from jax import lax
from jax.experimental import pallas as pl
from jax.experimental.pallas import tpu as pltpu
from jax.experimental.pallas import tpu_sc as plsc

_TOTAL = 8 * 3136 * 768
_NC, _NS = 2, 16
_NW = _NC * _NS
_WCH = _TOTAL // _NW
_CH = 50176
_NCH = _WCH // _CH


def _sc_copy_body(x_hbm, o_hbm, b0, b1, si0, si1, so0, so1):
    wid = lax.axis_index("s") * _NC + lax.axis_index("c")
    base = wid * _WCH
    bufs, isems, osems = (b0, b1), (si0, si1), (so0, so1)

    def in_cp(i, b):
        return pltpu.make_async_copy(
            x_hbm.at[pl.ds(base + i * _CH, _CH)], bufs[b], isems[b])

    def out_cp(i, b):
        return pltpu.make_async_copy(
            bufs[b], o_hbm.at[pl.ds(base + i * _CH, _CH)], osems[b])

    in_cp(0, 0).start()
    for i in range(_NCH):
        b = i % 2
        if i + 1 < _NCH:
            if i >= 1:
                out_cp(i - 1, 1 - b).wait()
            in_cp(i + 1, 1 - b).start()
        in_cp(i, b).wait()
        out_cp(i, b).start()
    out_cp(_NCH - 2, _NCH % 2).wait()
    out_cp(_NCH - 1, 1 - _NCH % 2).wait()


_sc_copy = functools.partial(
    pl.kernel,
    out_type=jax.ShapeDtypeStruct((_TOTAL,), jnp.float32),
    mesh=plsc.VectorSubcoreMesh(core_axis_name="c", subcore_axis_name="s"),
    scratch_types=[
        pltpu.VMEM((_CH,), jnp.float32),
        pltpu.VMEM((_CH,), jnp.float32),
        pltpu.SemaphoreType.DMA,
        pltpu.SemaphoreType.DMA,
        pltpu.SemaphoreType.DMA,
        pltpu.SemaphoreType.DMA,
    ],
)(_sc_copy_body)


def kernel(x):
    flat = x.reshape(_TOTAL)
    return _sc_copy(flat).reshape(x.shape)

# --- scband reference (transcript-rebuilt; emitter-appended) ---
"""Pipeline reference for scband-edge-layer-87832081203489 (READ-ONLY COPY).

The authoritative reference and input builder live on the scoring server;
editing this copy changes nothing except your own understanding.
"""

import jax, jax.numpy as jnp
import numpy as np

def setup_inputs(seed: int = 0) -> dict:
    key = jax.random.key(seed)
    x = jax.random.normal(key, (8, 3136, 768), dtype=jnp.float32)
    return {"x": x}

def reference(x):
    # edge_layer.forward is an identity pass-through: return x unchanged.
    # (The cos_* grouping/NMS-like dedup routines are auxiliary methods not
    # invoked by forward, so the faithful translation of forward is identity.)
    return x

if __name__ == "__main__":
    import jax
    _d = setup_inputs()
    print(jax.jit(kernel)(*tuple(_d.values())))

</pallas_src>

<mosaic_0001>
#map = affine_map<(d0, d1) -> (0)>
module attributes {stable_mosaic.version = 14 : i64} {
  func.func @_sc_copy_body(%arg0: i32, %arg1: i32, %arg2: memref<19267584xf32, #tpu.memory_space<hbm>>, %arg3: memref<19267584xf32, #tpu.memory_space<hbm>>, %arg4: memref<50176xf32, #tpu.memory_space<vmem>>, %arg5: memref<50176xf32, #tpu.memory_space<vmem>>, %arg6: memref<!tpu.dma_semaphore, #tpu.memory_space<semaphore_mem>>, %arg7: memref<!tpu.dma_semaphore, #tpu.memory_space<semaphore_mem>>, %arg8: memref<!tpu.dma_semaphore, #tpu.memory_space<semaphore_mem>>, %arg9: memref<!tpu.dma_semaphore, #tpu.memory_space<semaphore_mem>>) attributes {dimension_semantics = [#tpu.dimension_semantics<core_parallel>, #tpu.dimension_semantics<subcore_parallel>], iteration_bounds = array<i64: 2, 16>, scalar_prefetch = 0 : i64, scratch_operands = 6 : i64, tpu.core_type = #tpu.core_type<sc_vector_subcore>, window_params = [{transform_indices = #map}, {transform_indices = #map}]} {
    %mul3A = arith.constant 2 : i32
    %mul3A_0 = arith.muli %arg1, %mul3A : i32
    %add3A = arith.addi %mul3A_0, %arg0 : i32
    %mul3A_1 = arith.constant 602112 : i32
    %mul3A_2 = arith.muli %add3A, %mul3A_1 : i32
    %add3A_3 = arith.constant 0 : i32
    %add3A_4 = arith.addi %mul3A_2, %add3A_3 : i32
    %dma_start3A = tpu.memref_slice %arg2[%add3A_4] : memref<19267584xf32, #tpu.memory_space<hbm>> -> memref<50176xf32, #tpu.memory_space<hbm>>
    %dma_start3A_5 = tpu.memref_slice %arg2[%add3A_4] : memref<19267584xf32, #tpu.memory_space<hbm>> -> memref<50176xf32, #tpu.memory_space<hbm>>
    tpu.enqueue_dma source(%dma_start3A_5 : memref<50176xf32, #tpu.memory_space<hbm>>) target(%arg4 : memref<50176xf32, #tpu.memory_space<vmem>>) target_semaphore(%arg6 : memref<!tpu.dma_semaphore, #tpu.memory_space<semaphore_mem>>)
    %add3A_6 = arith.constant 50176 : i32
    %add3A_7 = arith.addi %mul3A_2, %add3A_6 : i32
    %dma_start3A_8 = tpu.memref_slice %arg2[%add3A_7] : memref<19267584xf32, #tpu.memory_space<hbm>> -> memref<50176xf32, #tpu.memory_space<hbm>>
    %dma_start3A_9 = tpu.memref_slice %arg2[%add3A_7] : memref<19267584xf32, #tpu.memory_space<hbm>> -> memref<50176xf32, #tpu.memory_space<hbm>>
    tpu.enqueue_dma source(%dma_start3A_9 : memref<50176xf32, #tpu.memory_space<hbm>>) target(%arg5 : memref<50176xf32, #tpu.memory_space<vmem>>) target_semaphore(%arg7 : memref<!tpu.dma_semaphore, #tpu.memory_space<semaphore_mem>>)
    %add3A_10 = arith.constant 0 : i32
    %add3A_11 = arith.addi %mul3A_2, %add3A_10 : i32
    %dma_wait3A = tpu.memref_slice %arg2[%add3A_11] : memref<19267584xf32, #tpu.memory_space<hbm>> -> memref<50176xf32, #tpu.memory_space<hbm>>
    %dma_wait3A_12 = tpu.memref_slice %arg2[%add3A_11] : memref<19267584xf32, #tpu.memory_space<hbm>> -> memref<50176xf32, #tpu.memory_space<hbm>>
    tpu.wait_dma2 semaphore(%arg6 : memref<!tpu.dma_semaphore, #tpu.memory_space<semaphore_mem>>) src(%dma_wait3A_12 : memref<50176xf32, #tpu.memory_space<hbm>>) dst(%arg4 : memref<50176xf32, #tpu.memory_space<vmem>>)
    %add3A_13 = arith.constant 0 : i32
    %add3A_14 = arith.addi %mul3A_2, %add3A_13 : i32
    %dma_start3A_15 = tpu.memref_slice %arg3[%add3A_14] : memref<19267584xf32, #tpu.memory_space<hbm>> -> memref<50176xf32, #tpu.memory_space<hbm>>
    %dma_start3A_16 = tpu.memref_slice %arg3[%add3A_14] : memref<19267584xf32, #tpu.memory_space<hbm>> -> memref<50176xf32, #tpu.memory_space<hbm>>
    tpu.enqueue_dma source(%arg4 : memref<50176xf32, #tpu.memory_space<vmem>>) target(%dma_start3A_16 : memref<50176xf32, #tpu.memory_space<hbm>>) target_semaphore(%arg8 : memref<!tpu.dma_semaphore, #tpu.memory_space<semaphore_mem>>)
    %add3A_17 = arith.constant 0 : i32
    %add3A_18 = arith.addi %mul3A_2, %add3A_17 : i32
    %dma_wait3A_19 = tpu.memref_slice %arg3[%add3A_18] : memref<19267584xf32, #tpu.memory_space<hbm>> -> memref<50176xf32, #tpu.memory_space<hbm>>
    %dma_wait3A_20 = tpu.memref_slice %arg3[%add3A_18] : memref<19267584xf32, #tpu.memory_space<hbm>> -> memref<50176xf32, #tpu.memory_space<hbm>>
    tpu.wait_dma2 semaphore(%arg8 : memref<!tpu.dma_semaphore, #tpu.memory_space<semaphore_mem>>) src(%arg4 : memref<50176xf32, #tpu.memory_space<vmem>>) dst(%dma_wait3A_20 : memref<50176xf32, #tpu.memory_space<hbm>>)
    %add3A_21 = arith.constant 100352 : i32
    %add3A_22 = arith.addi %mul3A_2, %add3A_21 : i32
    %dma_start3A_23 = tpu.memref_slice %arg2[%add3A_22] : memref<19267584xf32, #tpu.memory_space<hbm>> -> memref<50176xf32, #tpu.memory_space<hbm>>
    %dma_start3A_24 = tpu.memref_slice %arg2[%add3A_22] : memref<19267584xf32, #tpu.memory_space<hbm>> -> memref<50176xf32, #tpu.memory_space<hbm>>
    tpu.enqueue_dma source(%dma_start3A_24 : memref<50176xf32, #tpu.memory_space<hbm>>) target(%arg4 : memref<50176xf32, #tpu.memory_space<vmem>>) target_semaphore(%arg6 : memref<!tpu.dma_semaphore, #tpu.memory_space<semaphore_mem>>)
    %add3A_25 = arith.constant 50176 : i32
    %add3A_26 = arith.addi %mul3A_2, %add3A_25 : i32
    %dma_wait3A_27 = tpu.memref_slice %arg2[%add3A_26] : memref<19267584xf32, #tpu.memory_space<hbm>> -> memref<50176xf32, #tpu.memory_space<hbm>>
    %dma_wait3A_28 = tpu.memref_slice %arg2[%add3A_26] : memref<19267584xf32, #tpu.memory_space<hbm>> -> memref<50176xf32, #tpu.memory_space<hbm>>
    tpu.wait_dma2 semaphore(%arg7 : memref<!tpu.dma_semaphore, #tpu.memory_space<semaphore_mem>>) src(%dma_wait3A_28 : memref<50176xf32, #tpu.memory_space<hbm>>) dst(%arg5 : memref<50176xf32, #tpu.memory_space<vmem>>)
    %add3A_29 = arith.constant 50176 : i32
    %add3A_30 = arith.addi %mul3A_2, %add3A_29 : i32
    %dma_start3A_31 = tpu.memref_slice %arg3[%add3A_30] : memref<19267584xf32, #tpu.memory_space<hbm>> -> memref<50176xf32, #tpu.memory_space<hbm>>
    %dma_start3A_32 = tpu.memref_slice %arg3[%add3A_30] : memref<19267584xf32, #tpu.memory_space<hbm>> -> memref<50176xf32, #tpu.memory_space<hbm>>
    tpu.enqueue_dma source(%arg5 : memref<50176xf32, #tpu.memory_space<vmem>>) target(%dma_start3A_32 : memref<50176xf32, #tpu.memory_space<hbm>>) target_semaphore(%arg9 : memref<!tpu.dma_semaphore, #tpu.memory_space<semaphore_mem>>)
    %add3A_33 = arith.constant 50176 : i32
    %add3A_34 = arith.addi %mul3A_2, %add3A_33 : i32
    %dma_wait3A_35 = tpu.memref_slice %arg3[%add3A_34] : memref<19267584xf32, #tpu.memory_space<hbm>> -> memref<50176xf32, #tpu.memory_space<hbm>>
    %dma_wait3A_36 = tpu.memref_slice %arg3[%add3A_34] : memref<19267584xf32, #tpu.memory_space<hbm>> -> memref<50176xf32, #tpu.memory_space<hbm>>
    tpu.wait_dma2 semaphore(%arg9 : memref<!tpu.dma_semaphore, #tpu.memory_space<semaphore_mem>>) src(%arg5 : memref<50176xf32, #tpu.memory_space<vmem>>) dst(%dma_wait3A_36 : memref<50176xf32, #tpu.memory_space<hbm>>)
    %add3A_37 = arith.constant 150528 : i32
    %add3A_38 = arith.addi %mul3A_2, %add3A_37 : i32
    %dma_start3A_39 = tpu.memref_slice %arg2[%add3A_38] : memref<19267584xf32, #tpu.memory_space<hbm>> -> memref<50176xf32, #tpu.memory_space<hbm>>
    %dma_start3A_40 = tpu.memref_slice %arg2[%add3A_38] : memref<19267584xf32, #tpu.memory_space<hbm>> -> memref<50176xf32, #tpu.memory_space<hbm>>
    tpu.enqueue_dma source(%dma_start3A_40 : memref<50176xf32, #tpu.memory_space<hbm>>) target(%arg5 : memref<50176xf32, #tpu.memory_space<vmem>>) target_semaphore(%arg7 : memref<!tpu.dma_semaphore, #tpu.memory_space<semaphore_mem>>)
    %add3A_41 = arith.constant 100352 : i32
    %add3A_42 = arith.addi %mul3A_2, %add3A_41 : i32
    %dma_wait3A_43 = tpu.memref_slice %arg2[%add3A_42] : memref<19267584xf32, #tpu.memory_space<hbm>> -> memref<50176xf32, #tpu.memory_space<hbm>>
    %dma_wait3A_44 = tpu.memref_slice %arg2[%add3A_42] : memref<19267584xf32, #tpu.memory_space<hbm>> -> memref<50176xf32, #tpu.memory_space<hbm>>
    tpu.wait_dma2 semaphore(%arg6 : memref<!tpu.dma_semaphore, #tpu.memory_space<semaphore_mem>>) src(%dma_wait3A_44 : memref<50176xf32, #tpu.memory_space<hbm>>) dst(%arg4 : memref<50176xf32, #tpu.memory_space<vmem>>)
    %add3A_45 = arith.constant 100352 : i32
    %add3A_46 = arith.addi %mul3A_2, %add3A_45 : i32
    %dma_start3A_47 = tpu.memref_slice %arg3[%add3A_46] : memref<19267584xf32, #tpu.memory_space<hbm>> -> memref<50176xf32, #tpu.memory_space<hbm>>
    %dma_start3A_48 = tpu.memref_slice %arg3[%add3A_46] : memref<19267584xf32, #tpu.memory_space<hbm>> -> memref<50176xf32, #tpu.memory_space<hbm>>
    tpu.enqueue_dma source(%arg4 : memref<50176xf32, #tpu.memory_space<vmem>>) target(%dma_start3A_48 : memref<50176xf32, #tpu.memory_space<hbm>>) target_semaphore(%arg8 : memref<!tpu.dma_semaphore, #tpu.memory_space<semaphore_mem>>)
    %add3A_49 = arith.constant 100352 : i32
    %add3A_50 = arith.addi %mul3A_2, %add3A_49 : i32
    %dma_wait3A_51 = tpu.memref_slice %arg3[%add3A_50] : memref<19267584xf32, #tpu.memory_space<hbm>> -> memref<50176xf32, #tpu.memory_space<hbm>>
    %dma_wait3A_52 = tpu.memref_slice %arg3[%add3A_50] : memref<19267584xf32, #tpu.memory_space<hbm>> -> memref<50176xf32, #tpu.memory_space<hbm>>
    tpu.wait_dma2 semaphore(%arg8 : memref<!tpu.dma_semaphore, #tpu.memory_space<semaphore_mem>>) src(%arg4 : memref<50176xf32, #tpu.memory_space<vmem>>) dst(%dma_wait3A_52 : memref<50176xf32, #tpu.memory_space<hbm>>)
    %add3A_53 = arith.constant 200704 : i32
    %add3A_54 = arith.addi %mul3A_2, %add3A_53 : i32
    %dma_start3A_55 = tpu.memref_slice %arg2[%add3A_54] : memref<19267584xf32, #tpu.memory_space<hbm>> -> memref<50176xf32, #tpu.memory_space<hbm>>
    %dma_start3A_56 = tpu.memref_slice %arg2[%add3A_54] : memref<19267584xf32, #tpu.memory_space<hbm>> -> memref<50176xf32, #tpu.memory_space<hbm>>
    tpu.enqueue_dma source(%dma_start3A_56 : memref<50176xf32, #tpu.memory_space<hbm>>) target(%arg4 : memref<50176xf32, #tpu.memory_space<vmem>>) target_semaphore(%arg6 : memref<!tpu.dma_semaphore, #tpu.memory_space<semaphore_mem>>)
    %add3A_57 = arith.constant 150528 : i32
    %add3A_58 = arith.addi %mul3A_2, %add3A_57 : i32
    %dma_wait3A_59 = tpu.memref_slice %arg2[%add3A_58] : memref<19267584xf32, #tpu.memory_space<hbm>> -> memref<50176xf32, #tpu.memory_space<hbm>>
    %dma_wait3A_60 = tpu.memref_slice %arg2[%add3A_58] : memref<19267584xf32, #tpu.memory_space<hbm>> -> memref<50176xf32, #tpu.memory_space<hbm>>
    tpu.wait_dma2 semaphore(%arg7 : memref<!tpu.dma_semaphore, #tpu.memory_space<semaphore_mem>>) src(%dma_wait3A_60 : memref<50176xf32, #tpu.memory_space<hbm>>) dst(%arg5 : memref<50176xf32, #tpu.memory_space<vmem>>)
    %add3A_61 = arith.constant 150528 : i32
    %add3A_62 = arith.addi %mul3A_2, %add3A_61 : i32
    %dma_start3A_63 = tpu.memref_slice %arg3[%add3A_62] : memref<19267584xf32, #tpu.memory_space<hbm>> -> memref<50176xf32, #tpu.memory_space<hbm>>
    %dma_start3A_64 = tpu.memref_slice %arg3[%add3A_62] : memref<19267584xf32, #tpu.memory_space<hbm>> -> memref<50176xf32, #tpu.memory_space<hbm>>
    tpu.enqueue_dma source(%arg5 : memref<50176xf32, #tpu.memory_space<vmem>>) target(%dma_start3A_64 : memref<50176xf32, #tpu.memory_space<hbm>>) target_semaphore(%arg9 : memref<!tpu.dma_semaphore, #tpu.memory_space<semaphore_mem>>)
    %add3A_65 = arith.constant 150528 : i32
    %add3A_66 = arith.addi %mul3A_2, %add3A_65 : i32
    %dma_wait3A_67 = tpu.memref_slice %arg3[%add3A_66] : memref<19267584xf32, #tpu.memory_space<hbm>> -> memref<50176xf32, #tpu.memory_space<hbm>>
    %dma_wait3A_68 = tpu.memref_slice %arg3[%add3A_66] : memref<19267584xf32, #tpu.memory_space<hbm>> -> memref<50176xf32, #tpu.memory_space<hbm>>
    tpu.wait_dma2 semaphore(%arg9 : memref<!tpu.dma_semaphore, #tpu.memory_space<semaphore_mem>>) src(%arg5 : memref<50176xf32, #tpu.memory_space<vmem>>) dst(%dma_wait3A_68 : memref<50176xf32, #tpu.memory_space<hbm>>)
    %add3A_69 = arith.constant 250880 : i32
    %add3A_70 = arith.addi %mul3A_2, %add3A_69 : i32
    %dma_start3A_71 = tpu.memref_slice %arg2[%add3A_70] : memref<19267584xf32, #tpu.memory_space<hbm>> -> memref<50176xf32, #tpu.memory_space<hbm>>
    %dma_start3A_72 = tpu.memref_slice %arg2[%add3A_70] : memref<19267584xf32, #tpu.memory_space<hbm>> -> memref<50176xf32, #tpu.memory_space<hbm>>
    tpu.enqueue_dma source(%dma_start3A_72 : memref<50176xf32, #tpu.memory_space<hbm>>) target(%arg5 : memref<50176xf32, #tpu.memory_space<vmem>>) target_semaphore(%arg7 : memref<!tpu.dma_semaphore, #tpu.memory_space<semaphore_mem>>)
    %add3A_73 = arith.constant 200704 : i32
    %add3A_74 = arith.addi %mul3A_2, %add3A_73 : i32
    %dma_wait3A_75 = tpu.memref_slice %arg2[%add3A_74] : memref<19267584xf32, #tpu.memory_space<hbm>> -> memref<50176xf32, #tpu.memory_space<hbm>>
    %dma_wait3A_76 = tpu.memref_slice %arg2[%add3A_74] : memref<19267584xf32, #tpu.memory_space<hbm>> -> memref<50176xf32, #tpu.memory_space<hbm>>
    tpu.wait_dma2 semaphore(%arg6 : memref<!tpu.dma_semaphore, #tpu.memory_space<semaphore_mem>>) src(%dma_wait3A_76 : memref<50176xf32, #tpu.memory_space<hbm>>) dst(%arg4 : memref<50176xf32, #tpu.memory_space<vmem>>)
    %add3A_77 = arith.constant 200704 : i32
    %add3A_78 = arith.addi %mul3A_2, %add3A_77 : i32
    %dma_start3A_79 = tpu.memref_slice %arg3[%add3A_78] : memref<19267584xf32, #tpu.memory_space<hbm>> -> memref<50176xf32, #tpu.memory_space<hbm>>
    %dma_start3A_80 = tpu.memref_slice %arg3[%add3A_78] : memref<19267584xf32, #tpu.memory_space<hbm>> -> memref<50176xf32, #tpu.memory_space<hbm>>
    tpu.enqueue_dma source(%arg4 : memref<50176xf32, #tpu.memory_space<vmem>>) target(%dma_start3A_80 : memref<50176xf32, #tpu.memory_space<hbm>>) target_semaphore(%arg8 : memref<!tpu.dma_semaphore, #tpu.memory_space<semaphore_mem>>)
    %add3A_81 = arith.constant 200704 : i32
    %add3A_82 = arith.addi %mul3A_2, %add3A_81 : i32
    %dma_wait3A_83 = tpu.memref_slice %arg3[%add3A_82] : memref<19267584xf32, #tpu.memory_space<hbm>> -> memref<50176xf32, #tpu.memory_space<hbm>>
    %dma_wait3A_84 = tpu.memref_slice %arg3[%add3A_82] : memref<19267584xf32, #tpu.memory_space<hbm>> -> memref<50176xf32, #tpu.memory_space<hbm>>
    tpu.wait_dma2 semaphore(%arg8 : memref<!tpu.dma_semaphore, #tpu.memory_space<semaphore_mem>>) src(%arg4 : memref<50176xf32, #tpu.memory_space<vmem>>) dst(%dma_wait3A_84 : memref<50176xf32, #tpu.memory_space<hbm>>)
    %add3A_85 = arith.constant 301056 : i32
    %add3A_86 = arith.addi %mul3A_2, %add3A_85 : i32
    %dma_start3A_87 = tpu.memref_slice %arg2[%add3A_86] : memref<19267584xf32, #tpu.memory_space<hbm>> -> memref<50176xf32, #tpu.memory_space<hbm>>
    %dma_start3A_88 = tpu.memref_slice %arg2[%add3A_86] : memref<19267584xf32, #tpu.memory_space<hbm>> -> memref<50176xf32, #tpu.memory_space<hbm>>
    tpu.enqueue_dma source(%dma_start3A_88 : memref<50176xf32, #tpu.memory_space<hbm>>) target(%arg4 : memref<50176xf32, #tpu.memory_space<vmem>>) target_semaphore(%arg6 : memref<!tpu.dma_semaphore, #tpu.memory_space<semaphore_mem>>)
    %add3A_89 = arith.constant 250880 : i32
    %add3A_90 = arith.addi %mul3A_2, %add3A_89 : i32
    %dma_wait3A_91 = tpu.memref_slice %arg2[%add3A_90] : memref<19267584xf32, #tpu.memory_space<hbm>> -> memref<50176xf32, #tpu.memory_space<hbm>>
    %dma_wait3A_92 = tpu.memref_slice %arg2[%add3A_90] : memref<19267584xf32, #tpu.memory_space<hbm>> -> memref<50176xf32, #tpu.memory_space<hbm>>
    tpu.wait_dma2 semaphore(%arg7 : memref<!tpu.dma_semaphore, #tpu.memory_space<semaphore_mem>>) src(%dma_wait3A_92 : memref<50176xf32, #tpu.memory_space<hbm>>) dst(%arg5 : memref<50176xf32, #tpu.memory_space<vmem>>)
    %add3A_93 = arith.constant 250880 : i32
    %add3A_94 = arith.addi %mul3A_2, %add3A_93 : i32
    %dma_start3A_95 = tpu.memref_slice %arg3[%add3A_94] : memref<19267584xf32, #tpu.memory_space<hbm>> -> memref<50176xf32, #tpu.memory_space<hbm>>
    %dma_start3A_96 = tpu.memref_slice %arg3[%add3A_94] : memref<19267584xf32, #tpu.memory_space<hbm>> -> memref<50176xf32, #tpu.memory_space<hbm>>
    tpu.enqueue_dma source(%arg5 : memref<50176xf32, #tpu.memory_space<vmem>>) target(%dma_start3A_96 : memref<50176xf32, #tpu.memory_space<hbm>>) target_semaphore(%arg9 : memref<!tpu.dma_semaphore, #tpu.memory_space<semaphore_mem>>)
    %add3A_97 = arith.constant 250880 : i32
    %add3A_98 = arith.addi %mul3A_2, %add3A_97 : i32
    %dma_wait3A_99 = tpu.memref_slice %arg3[%add3A_98] : memref<19267584xf32, #tpu.memory_space<hbm>> -> memref<50176xf32, #tpu.memory_space<hbm>>
    %dma_wait3A_100 = tpu.memref_slice %arg3[%add3A_98] : memref<19267584xf32, #tpu.memory_space<hbm>> -> memref<50176xf32, #tpu.memory_space<hbm>>
    tpu.wait_dma2 semaphore(%arg9 : memref<!tpu.dma_semaphore, #tpu.memory_space<semaphore_mem>>) src(%arg5 : memref<50176xf32, #tpu.memory_space<vmem>>) dst(%dma_wait3A_100 : memref<50176xf32, #tpu.memory_space<hbm>>)
    %add3A_101 = arith.constant 351232 : i32
    %add3A_102 = arith.addi %mul3A_2, %add3A_101 : i32
    %dma_start3A_103 = tpu.memref_slice %arg2[%add3A_102] : memref<19267584xf32, #tpu.memory_space<hbm>> -> memref<50176xf32, #tpu.memory_space<hbm>>
    %dma_start3A_104 = tpu.memref_slice %arg2[%add3A_102] : memref<19267584xf32, #tpu.memory_space<hbm>> -> memref<50176xf32, #tpu.memory_space<hbm>>
    tpu.enqueue_dma source(%dma_start3A_104 : memref<50176xf32, #tpu.memory_space<hbm>>) target(%arg5 : memref<50176xf32, #tpu.memory_space<vmem>>) target_semaphore(%arg7 : memref<!tpu.dma_semaphore, #tpu.memory_space<semaphore_mem>>)
    %add3A_105 = arith.constant 301056 : i32
    %add3A_106 = arith.addi %mul3A_2, %add3A_105 : i32
    %dma_wait3A_107 = tpu.memref_slice %arg2[%add3A_106] : memref<19267584xf32, #tpu.memory_space<hbm>> -> memref<50176xf32, #tpu.memory_space<hbm>>
    %dma_wait3A_108 = tpu.memref_slice %arg2[%add3A_106] : memref<19267584xf32, #tpu.memory_space<hbm>> -> memref<50176xf32, #tpu.memory_space<hbm>>
    tpu.wait_dma2 semaphore(%arg6 : memref<!tpu.dma_semaphore, #tpu.memory_space<semaphore_mem>>) src(%dma_wait3A_108 : memref<50176xf32, #tpu.memory_space<hbm>>) dst(%arg4 : memref<50176xf32, #tpu.memory_space<vmem>>)
    %add3A_109 = arith.constant 301056 : i32
    %add3A_110 = arith.addi %mul3A_2, %add3A_109 : i32
    %dma_start3A_111 = tpu.memref_slice %arg3[%add3A_110] : memref<19267584xf32, #tpu.memory_space<hbm>> -> memref<50176xf32, #tpu.memory_space<hbm>>
    %dma_start3A_112 = tpu.memref_slice %arg3[%add3A_110] : memref<19267584xf32, #tpu.memory_space<hbm>> -> memref<50176xf32, #tpu.memory_space<hbm>>
    tpu.enqueue_dma source(%arg4 : memref<50176xf32, #tpu.memory_space<vmem>>) target(%dma_start3A_112 : memref<50176xf32, #tpu.memory_space<hbm>>) target_semaphore(%arg8 : memref<!tpu.dma_semaphore, #tpu.memory_space<semaphore_mem>>)
    %add3A_113 = arith.constant 301056 : i32
    %add3A_114 = arith.addi %mul3A_2, %add3A_113 : i32
    %dma_wait3A_115 = tpu.memref_slice %arg3[%add3A_114] : memref<19267584xf32, #tpu.memory_space<hbm>> -> memref<50176xf32, #tpu.memory_space<hbm>>
    %dma_wait3A_116 = tpu.memref_slice %arg3[%add3A_114] : memref<19267584xf32, #tpu.memory_space<hbm>> -> memref<50176xf32, #tpu.memory_space<hbm>>
    tpu.wait_dma2 semaphore(%arg8 : memref<!tpu.dma_semaphore, #tpu.memory_space<semaphore_mem>>) src(%arg4 : memref<50176xf32, #tpu.memory_space<vmem>>) dst(%dma_wait3A_116 : memref<50176xf32, #tpu.memory_space<hbm>>)
    %add3A_117 = arith.constant 401408 : i32
    %add3A_118 = arith.addi %mul3A_2, %add3A_117 : i32
    %dma_start3A_119 = tpu.memref_slice %arg2[%add3A_118] : memref<19267584xf32, #tpu.memory_space<hbm>> -> memref<50176xf32, #tpu.memory_space<hbm>>
    %dma_start3A_120 = tpu.memref_slice %arg2[%add3A_118] : memref<19267584xf32, #tpu.memory_space<hbm>> -> memref<50176xf32, #tpu.memory_space<hbm>>
    tpu.enqueue_dma source(%dma_start3A_120 : memref<50176xf32, #tpu.memory_space<hbm>>) target(%arg4 : memref<50176xf32, #tpu.memory_space<vmem>>) target_semaphore(%arg6 : memref<!tpu.dma_semaphore, #tpu.memory_space<semaphore_mem>>)
    %add3A_121 = arith.constant 351232 : i32
    %add3A_122 = arith.addi %mul3A_2, %add3A_121 : i32
    %dma_wait3A_123 = tpu.memref_slice %arg2[%add3A_122] : memref<19267584xf32, #tpu.memory_space<hbm>> -> memref<50176xf32, #tpu.memory_space<hbm>>
    %dma_wait3A_124 = tpu.memref_slice %arg2[%add3A_122] : memref<19267584xf32, #tpu.memory_space<hbm>> -> memref<50176xf32, #tpu.memory_space<hbm>>
    tpu.wait_dma2 semaphore(%arg7 : memref<!tpu.dma_semaphore, #tpu.memory_space<semaphore_mem>>) src(%dma_wait3A_124 : memref<50176xf32, #tpu.memory_space<hbm>>) dst(%arg5 : memref<50176xf32, #tpu.memory_space<vmem>>)
    %add3A_125 = arith.constant 351232 : i32
    %add3A_126 = arith.addi %mul3A_2, %add3A_125 : i32
    %dma_start3A_127 = tpu.memref_slice %arg3[%add3A_126] : memref<19267584xf32, #tpu.memory_space<hbm>> -> memref<50176xf32, #tpu.memory_space<hbm>>
    %dma_start3A_128 = tpu.memref_slice %arg3[%add3A_126] : memref<19267584xf32, #tpu.memory_space<hbm>> -> memref<50176xf32, #tpu.memory_space<hbm>>
    tpu.enqueue_dma source(%arg5 : memref<50176xf32, #tpu.memory_space<vmem>>) target(%dma_start3A_128 : memref<50176xf32, #tpu.memory_space<hbm>>) target_semaphore(%arg9 : memref<!tpu.dma_semaphore, #tpu.memory_space<semaphore_mem>>)
    %add3A_129 = arith.constant 351232 : i32
    %add3A_130 = arith.addi %mul3A_2, %add3A_129 : i32
    %dma_wait3A_131 = tpu.memref_slice %arg3[%add3A_130] : memref<19267584xf32, #tpu.memory_space<hbm>> -> memref<50176xf32, #tpu.memory_space<hbm>>
    %dma_wait3A_132 = tpu.memref_slice %arg3[%add3A_130] : memref<19267584xf32, #tpu.memory_space<hbm>> -> memref<50176xf32, #tpu.memory_space<hbm>>
    tpu.wait_dma2 semaphore(%arg9 : memref<!tpu.dma_semaphore, #tpu.memory_space<semaphore_mem>>) src(%arg5 : memref<50176xf32, #tpu.memory_space<vmem>>) dst(%dma_wait3A_132 : memref<50176xf32, #tpu.memory_space<hbm>>)
    %add3A_133 = arith.constant 451584 : i32
    %add3A_134 = arith.addi %mul3A_2, %add3A_133 : i32
    %dma_start3A_135 = tpu.memref_slice %arg2[%add3A_134] : memref<19267584xf32, #tpu.memory_space<hbm>> -> memref<50176xf32, #tpu.memory_space<hbm>>
    %dma_start3A_136 = tpu.memref_slice %arg2[%add3A_134] : memref<19267584xf32, #tpu.memory_space<hbm>> -> memref<50176xf32, #tpu.memory_space<hbm>>
    tpu.enqueue_dma source(%dma_start3A_136 : memref<50176xf32, #tpu.memory_space<hbm>>) target(%arg5 : memref<50176xf32, #tpu.memory_space<vmem>>) target_semaphore(%arg7 : memref<!tpu.dma_semaphore, #tpu.memory_space<semaphore_mem>>)
    %add3A_137 = arith.constant 401408 : i32
    %add3A_138 = arith.addi %mul3A_2, %add3A_137 : i32
    %dma_wait3A_139 = tpu.memref_slice %arg2[%add3A_138] : memref<19267584xf32, #tpu.memory_space<hbm>> -> memref<50176xf32, #tpu.memory_space<hbm>>
    %dma_wait3A_140 = tpu.memref_slice %arg2[%add3A_138] : memref<19267584xf32, #tpu.memory_space<hbm>> -> memref<50176xf32, #tpu.memory_space<hbm>>
    tpu.wait_dma2 semaphore(%arg6 : memref<!tpu.dma_semaphore, #tpu.memory_space<semaphore_mem>>) src(%dma_wait3A_140 : memref<50176xf32, #tpu.memory_space<hbm>>) dst(%arg4 : memref<50176xf32, #tpu.memory_space<vmem>>)
    %add3A_141 = arith.constant 401408 : i32
    %add3A_142 = arith.addi %mul3A_2, %add3A_141 : i32
    %dma_start3A_143 = tpu.memref_slice %arg3[%add3A_142] : memref<19267584xf32, #tpu.memory_space<hbm>> -> memref<50176xf32, #tpu.memory_space<hbm>>
    %dma_start3A_144 = tpu.memref_slice %arg3[%add3A_142] : memref<19267584xf32, #tpu.memory_space<hbm>> -> memref<50176xf32, #tpu.memory_space<hbm>>
    tpu.enqueue_dma source(%arg4 : memref<50176xf32, #tpu.memory_space<vmem>>) target(%dma_start3A_144 : memref<50176xf32, #tpu.memory_space<hbm>>) target_semaphore(%arg8 : memref<!tpu.dma_semaphore, #tpu.memory_space<semaphore_mem>>)
    %add3A_145 = arith.constant 401408 : i32
    %add3A_146 = arith.addi %mul3A_2, %add3A_145 : i32
    %dma_wait3A_147 = tpu.memref_slice %arg3[%add3A_146] : memref<19267584xf32, #tpu.memory_space<hbm>> -> memref<50176xf32, #tpu.memory_space<hbm>>
    %dma_wait3A_148 = tpu.memref_slice %arg3[%add3A_146] : memref<19267584xf32, #tpu.memory_space<hbm>> -> memref<50176xf32, #tpu.memory_space<hbm>>
    tpu.wait_dma2 semaphore(%arg8 : memref<!tpu.dma_semaphore, #tpu.memory_space<semaphore_mem>>) src(%arg4 : memref<50176xf32, #tpu.memory_space<vmem>>) dst(%dma_wait3A_148 : memref<50176xf32, #tpu.memory_space<hbm>>)
    %add3A_149 = arith.constant 501760 : i32
    %add3A_150 = arith.addi %mul3A_2, %add3A_149 : i32
    %dma_start3A_151 = tpu.memref_slice %arg2[%add3A_150] : memref<19267584xf32, #tpu.memory_space<hbm>> -> memref<50176xf32, #tpu.memory_space<hbm>>
    %dma_start3A_152 = tpu.memref_slice %arg2[%add3A_150] : memref<19267584xf32, #tpu.memory_space<hbm>> -> memref<50176xf32, #tpu.memory_space<hbm>>
    tpu.enqueue_dma source(%dma_start3A_152 : memref<50176xf32, #tpu.memory_space<hbm>>) target(%arg4 : memref<50176xf32, #tpu.memory_space<vmem>>) target_semaphore(%arg6 : memref<!tpu.dma_semaphore, #tpu.memory_space<semaphore_mem>>)
    %add3A_153 = arith.constant 451584 : i32
    %add3A_154 = arith.addi %mul3A_2, %add3A_153 : i32
    %dma_wait3A_155 = tpu.memref_slice %arg2[%add3A_154] : memref<19267584xf32, #tpu.memory_space<hbm>> -> memref<50176xf32, #tpu.memory_space<hbm>>
    %dma_wait3A_156 = tpu.memref_slice %arg2[%add3A_154] : memref<19267584xf32, #tpu.memory_space<hbm>> -> memref<50176xf32, #tpu.memory_space<hbm>>
    tpu.wait_dma2 semaphore(%arg7 : memref<!tpu.dma_semaphore, #tpu.memory_space<semaphore_mem>>) src(%dma_wait3A_156 : memref<50176xf32, #tpu.memory_space<hbm>>) dst(%arg5 : memref<50176xf32, #tpu.memory_space<vmem>>)
    %add3A_157 = arith.constant 451584 : i32
    %add3A_158 = arith.addi %mul3A_2, %add3A_157 : i32
    %dma_start3A_159 = tpu.memref_slice %arg3[%add3A_158] : memref<19267584xf32, #tpu.memory_space<hbm>> -> memref<50176xf32, #tpu.memory_space<hbm>>
    %dma_start3A_160 = tpu.memref_slice %arg3[%add3A_158] : memref<19267584xf32, #tpu.memory_space<hbm>> -> memref<50176xf32, #tpu.memory_space<hbm>>
    tpu.enqueue_dma source(%arg5 : memref<50176xf32, #tpu.memory_space<vmem>>) target(%dma_start3A_160 : memref<50176xf32, #tpu.memory_space<hbm>>) target_semaphore(%arg9 : memref<!tpu.dma_semaphore, #tpu.memory_space<semaphore_mem>>)
    %add3A_161 = arith.constant 451584 : i32
    %add3A_162 = arith.addi %mul3A_2, %add3A_161 : i32
    %dma_wait3A_163 = tpu.memref_slice %arg3[%add3A_162] : memref<19267584xf32, #tpu.memory_space<hbm>> -> memref<50176xf32, #tpu.memory_space<hbm>>
    %dma_wait3A_164 = tpu.memref_slice %arg3[%add3A_162] : memref<19267584xf32, #tpu.memory_space<hbm>> -> memref<50176xf32, #tpu.memory_space<hbm>>
    tpu.wait_dma2 semaphore(%arg9 : memref<!tpu.dma_semaphore, #tpu.memory_space<semaphore_mem>>) src(%arg5 : memref<50176xf32, #tpu.memory_space<vmem>>) dst(%dma_wait3A_164 : memref<50176xf32, #tpu.memory_space<hbm>>)
    %add3A_165 = arith.constant 551936 : i32
    %add3A_166 = arith.addi %mul3A_2, %add3A_165 : i32
    %dma_start3A_167 = tpu.memref_slice %arg2[%add3A_166] : memref<19267584xf32, #tpu.memory_space<hbm>> -> memref<50176xf32, #tpu.memory_space<hbm>>
    %dma_start3A_168 = tpu.memref_slice %arg2[%add3A_166] : memref<19267584xf32, #tpu.memory_space<hbm>> -> memref<50176xf32, #tpu.memory_space<hbm>>
    tpu.enqueue_dma source(%dma_start3A_168 : memref<50176xf32, #tpu.memory_space<hbm>>) target(%arg5 : memref<50176xf32, #tpu.memory_space<vmem>>) target_semaphore(%arg7 : memref<!tpu.dma_semaphore, #tpu.memory_space<semaphore_mem>>)
    %add3A_169 = arith.constant 501760 : i32
    %add3A_170 = arith.addi %mul3A_2, %add3A_169 : i32
    %dma_wait3A_171 = tpu.memref_slice %arg2[%add3A_170] : memref<19267584xf32, #tpu.memory_space<hbm>> -> memref<50176xf32, #tpu.memory_space<hbm>>
    %dma_wait3A_172 = tpu.memref_slice %arg2[%add3A_170] : memref<19267584xf32, #tpu.memory_space<hbm>> -> memref<50176xf32, #tpu.memory_space<hbm>>
    tpu.wait_dma2 semaphore(%arg6 : memref<!tpu.dma_semaphore, #tpu.memory_space<semaphore_mem>>) src(%dma_wait3A_172 : memref<50176xf32, #tpu.memory_space<hbm>>) dst(%arg4 : memref<50176xf32, #tpu.memory_space<vmem>>)
    %add3A_173 = arith.constant 501760 : i32
    %add3A_174 = arith.addi %mul3A_2, %add3A_173 : i32
    %dma_start3A_175 = tpu.memref_slice %arg3[%add3A_174] : memref<19267584xf32, #tpu.memory_space<hbm>> -> memref<50176xf32, #tpu.memory_space<hbm>>
    %dma_start3A_176 = tpu.memref_slice %arg3[%add3A_174] : memref<19267584xf32, #tpu.memory_space<hbm>> -> memref<50176xf32, #tpu.memory_space<hbm>>
    tpu.enqueue_dma source(%arg4 : memref<50176xf32, #tpu.memory_space<vmem>>) target(%dma_start3A_176 : memref<50176xf32, #tpu.memory_space<hbm>>) target_semaphore(%arg8 : memref<!tpu.dma_semaphore, #tpu.memory_space<semaphore_mem>>)
    %add3A_177 = arith.constant 551936 : i32
    %add3A_178 = arith.addi %mul3A_2, %add3A_177 : i32
    %dma_wait3A_179 = tpu.memref_slice %arg2[%add3A_178] : memref<19267584xf32, #tpu.memory_space<hbm>> -> memref<50176xf32, #tpu.memory_space<hbm>>
    %dma_wait3A_180 = tpu.memref_slice %arg2[%add3A_178] : memref<19267584xf32, #tpu.memory_space<hbm>> -> memref<50176xf32, #tpu.memory_space<hbm>>
    tpu.wait_dma2 semaphore(%arg7 : memref<!tpu.dma_semaphore, #tpu.memory_space<semaphore_mem>>) src(%dma_wait3A_180 : memref<50176xf32, #tpu.memory_space<hbm>>) dst(%arg5 : memref<50176xf32, #tpu.memory_space<vmem>>)
    %add3A_181 = arith.constant 551936 : i32
    %add3A_182 = arith.addi %mul3A_2, %add3A_181 : i32
    %dma_start3A_183 = tpu.memref_slice %arg3[%add3A_182] : memref<19267584xf32, #tpu.memory_space<hbm>> -> memref<50176xf32, #tpu.memory_space<hbm>>
    %dma_start3A_184 = tpu.memref_slice %arg3[%add3A_182] : memref<19267584xf32, #tpu.memory_space<hbm>> -> memref<50176xf32, #tpu.memory_space<hbm>>
    tpu.enqueue_dma source(%arg5 : memref<50176xf32, #tpu.memory_space<vmem>>) target(%dma_start3A_184 : memref<50176xf32, #tpu.memory_space<hbm>>) target_semaphore(%arg9 : memref<!tpu.dma_semaphore, #tpu.memory_space<semaphore_mem>>)
    %add3A_185 = arith.constant 501760 : i32
    %add3A_186 = arith.addi %mul3A_2, %add3A_185 : i32
    %dma_wait3A_187 = tpu.memref_slice %arg3[%add3A_186] : memref<19267584xf32, #tpu.memory_space<hbm>> -> memref<50176xf32, #tpu.memory_space<hbm>>
    %dma_wait3A_188 = tpu.memref_slice %arg3[%add3A_186] : memref<19267584xf32, #tpu.memory_space<hbm>> -> memref<50176xf32, #tpu.memory_space<hbm>>
    tpu.wait_dma2 semaphore(%arg8 : memref<!tpu.dma_semaphore, #tpu.memory_space<semaphore_mem>>) src(%arg4 : memref<50176xf32, #tpu.memory_space<vmem>>) dst(%dma_wait3A_188 : memref<50176xf32, #tpu.memory_space<hbm>>)
    %add3A_189 = arith.constant 551936 : i32
    %add3A_190 = arith.addi %mul3A_2, %add3A_189 : i32
    %dma_wait3A_191 = tpu.memref_slice %arg3[%add3A_190] : memref<19267584xf32, #tpu.memory_space<hbm>> -> memref<50176xf32, #tpu.memory_space<hbm>>
    %dma_wait3A_192 = tpu.memref_slice %arg3[%add3A_190] : memref<19267584xf32, #tpu.memory_space<hbm>> -> memref<50176xf32, #tpu.memory_space<hbm>>
    tpu.wait_dma2 semaphore(%arg9 : memref<!tpu.dma_semaphore, #tpu.memory_space<semaphore_mem>>) src(%arg5 : memref<50176xf32, #tpu.memory_space<vmem>>) dst(%dma_wait3A_192 : memref<50176xf32, #tpu.memory_space<hbm>>)
    return
  }
}

</mosaic_0001>

<sc_bundles>
// kernel: kernel.3.cloned.1.call-start
scs
__scs_entry_jumppad:
0x0: {  	(pc) =	sbr.rel $0x88, $3  }
0x1: {  	(tag) =	ssettag $0x0;
	lr =	simm.s32 $0x1  }
0x2: {  	[smem:$0x3FA0] =	sst lr;
	_ =	strace $0xD0000000  }
0x3: {  	_ = 	snop  }
0x4: {  	_ = 	snop  }
0x5: {  	_ = 	snop  }
0x6: {  	_ = 	snop  }
0x7: {  	_ = 	snop  }
__scs_overlays_trampoline_lowered:
0x8: {  	[smem:$0x3FAF] =	sst s0  }
0x9: {  	[smem:$0x3FB0] =	sst s1  }
0xa: {  	[smem:$0x3FB1] =	sst s2  }
0xb: {  	[smem:$0x3FB2] =	sst s3  }
0xc: {  	[smem:$0x3FB3] =	sst s4  }
0xd: {  	[smem:$0x3FB4] =	sst s5  }
0xe: {  	[smem:$0x3FB5] =	sst s6  }
0xf: {  	[smem:$0x3FB6] =	sst s7  }
0x10: {  	[smem:$0x3FB7] =	sst s8  }
0x11: {  	[smem:$0x3FB8] =	sst s9;
	s0 =	simm.s32 @!p0 $0x0  }
0x12: {  	s1 =	sld [smem:$0x3F9E];
	s0 =	simm.s32 @p0 $0x1  }
0x13: {  	[smem:$0x3FB9] =	sst s0;
	s0 =	simm.s32 @!p1 $0x0  }
0x14: {  	s2 =	sld [smem:$0x3F9D];
	s0 =	simm.s32 @p1 $0x1  }
0x15: {  	[smem:$0x3FBA] =	sst s0;
	s0 =	simm.s32 @!p2 $0x0  }
0x16: {  	s3 =	sld [smem:$0x3FDB];
	s0 =	simm.s32 @p2 $0x1  }
0x17: {  	s4 =	simm.s32 $0x1BF5;
	[smem:$0x3FBC] =	sst s0  }
0x18: {  	s0 =	sld [smem:$0x3F9F];
	_ =	swait.ge [sflag:s4], $0x0  }
0x19: {  	s7 =	sld [smem:$0x3FA0]  }
0x1a: {  	s8 =	sadd.s32 $0xFFFFE003, lr  }
0x1b: {  	s9 =	sadd.s32 $0xFFFFFEF7, lr;
	s5 =	simm.s32 $0xFFFFFFFF;
	p2 =	slt.u32 s8, $0xFFFFF086  }
0x1c: {  	p1 =	slt.u32 s9, $0xF7A;
	s5 =	simm.s32 @!p2 $0x0  }
0x1d: {  	s5 =	simm.s32 @p1 $0x1;
	p0 =	seq.s32 s7, s2  }
0x1e: {  	s7 =	smul.u32 @!p0 $0xF7A, s2;
	p2 =	seq.s32 @!p0 s5, $0x0  }
0x1f: {  	s9 =	smul.u32 $0xF7A, s1;
	s8 =	simm.s32 @!p0 $0x1BF5;
	p2 =	por !p2, p0  }
0x20: {  	[sflag:s8] =	ssyncset.s32 @!p0 $0xFFFFF086;
	s6 =	sadd.s32 @!p0 s3, s7;
	s7 =	simm.s32 @!p0 $0x108  }
0x21: {  	s3 =	sadd.s32 s3, s9;
	s6 =	sadd.s32 @!p0 $0x88, s6;
	s7 =	simm.s32 @p2 $0x1082  }
0x22: {  	[simem:s7], [sflag:s8] =	dma.local @!p0 [hbm:s6], $0xF7A  }
0x23: {  	s9 =	sor.u32 $0xD0000000, s2;
	s6 =	simm.s32 $0x108;
	_ =	swait.ge @!p0 [sflag:s8], $0x0  }
0x24: {  	s3 =	sadd.s32 $0x88, s3;
	s6 =	simm.s32 @!p1 $0x1082;
	[sflag:s4] =	ssyncset.s32 $0xFFFFF086  }
0x25: {  	[simem:s6], [sflag:s4] =	dma.local [hbm:s3], $0xF7A  }
0x26: {  	[smem:$0x3FA0] =	sst s1;
	(tag) =	ssettag s2;
	_ =	strace s9  }
0x27: {  	s1 =	sld [smem:$0x3FB0]  }
0x28: {  	s2 =	sld [smem:$0x3FB1]  }
0x29: {  	s4 =	sld [smem:$0x3FB3]  }
0x2a: {  	p0 =	seq.s32 s5, $0x0;
	s5 =	sld [smem:$0x3FB4]  }
0x2b: {  	s6 =	sld [smem:$0x3FB5]  }
0x2c: {  	s7 =	sld [smem:$0x3FB6]  }
0x2d: {  	s3 =	simm.s32 $0x108;
	s8 =	sld [smem:$0x3FB7]  }
0x2e: {  	s3 =	simm.s32 @!p0 $0x1082;
	s9 =	sld [smem:$0x3FB8]  }
0x2f: {  	lr =	sadd.s32 s0, s3;
	s0 =	sld [smem:$0x3FAF]  }
0x30: {  	s3 =	sld [smem:$0x3FB2]  }
0x31: {  	[smem:$0x3FBB] =	sst s10  }
0x32: {  	s10 =	sld [smem:$0x3FB9];
	_ =	sdelay $0x3  }
0x33: {  	p0 =	seq.s32 s10, $0x1;
	s10 =	sld [smem:$0x3FBB];
	_ =	sdelay $0x3  }
0x34: {  	[smem:$0x3FBB] =	sst s10  }
0x35: {  	s10 =	sld [smem:$0x3FBA];
	_ =	sdelay $0x3  }
0x36: {  	p1 =	seq.s32 s10, $0x1;
	s10 =	sld [smem:$0x3FBB];
	_ =	sdelay $0x3  }
0x37: {  	[smem:$0x3FBB] =	sst s10  }
0x38: {  	s10 =	sld [smem:$0x3FBC]  }
0x39: {  	_ = 	snop;
	(pc) =	sbr.ind lr, $3  }
0x3a: {  	_ = 	snop  }
0x3b: {  	_ = 	snop  }
0x3c: {  	p2 =	seq.s32 s10, $0x1;
	s10 =	sld [smem:$0x3FBB]  }
0x3d: {  	_ =	shalt  }
0x3e: {  	_ =	shalt  }
0x3f: {  	_ =	shalt  }
0x40: {  	_ =	shalt  }
0x41: {  	_ =	shalt  }
0x42: {  	_ =	shalt  }
0x43: {  	_ =	shalt  }
0x44: {  	_ =	shalt  }
0x45: {  	_ =	shalt  }
0x46: {  	_ =	shalt  }
0x47: {  	_ =	shalt  }
0x48: {  	_ =	shalt  }
0x49: {  	_ =	shalt  }
0x4a: {  	_ =	shalt  }
0x4b: {  	_ =	shalt  }
0x4c: {  	_ =	shalt  }
0x4d: {  	_ =	shalt  }
0x4e: {  	_ =	shalt  }
0x4f: {  	_ =	shalt  }
0x50: {  	_ =	shalt  }
0x51: {  	_ =	shalt  }
0x52: {  	_ =	shalt  }
0x53: {  	_ =	shalt  }
0x54: {  	_ =	shalt  }
0x55: {  	_ =	shalt  }
0x56: {  	_ =	shalt  }
0x57: {  	_ =	shalt  }
0x58: {  	_ =	shalt  }
0x59: {  	_ =	shalt  }
0x5a: {  	_ =	shalt  }
0x5b: {  	_ =	shalt  }
0x5c: {  	_ =	shalt  }
0x5d: {  	_ =	shalt  }
0x5e: {  	_ =	shalt  }
0x5f: {  	_ =	shalt  }
0x60: {  	_ =	shalt  }
0x61: {  	_ =	shalt  }
0x62: {  	_ =	shalt  }
0x63: {  	_ =	shalt  }
0x64: {  	_ =	shalt  }
0x65: {  	_ =	shalt  }
0x66: {  	_ =	shalt  }
0x67: {  	_ =	shalt  }
0x68: {  	_ =	shalt  }
0x69: {  	_ =	shalt  }
0x6a: {  	_ =	shalt  }
0x6b: {  	_ =	shalt  }
0x6c: {  	_ =	shalt  }
0x6d: {  	_ =	shalt  }
0x6e: {  	_ =	shalt  }
0x6f: {  	_ =	shalt  }
0x70: {  	_ =	shalt  }
0x71: {  	_ =	shalt  }
0x72: {  	_ =	shalt  }
0x73: {  	_ =	shalt  }
0x74: {  	_ =	shalt  }
0x75: {  	_ =	shalt  }
0x76: {  	_ =	shalt  }
0x77: {  	_ =	shalt  }
0x78: {  	_ =	shalt  }
0x79: {  	_ =	shalt  }
0x7a: {  	_ =	shalt  }
0x7b: {  	_ =	shalt  }
0x7c: {  	_ =	shalt  }
0x7d: {  	_ =	shalt  }
0x7e: {  	_ =	shalt  }
0x7f: {  	_ =	shalt  }
0x80: {  	_ =	shalt  }
0x81: {  	_ =	shalt  }
0x82: {  	_ =	shalt  }
0x83: {  	_ =	shalt  }
0x84: {  	_ =	shalt  }
0x85: {  	_ =	shalt  }
0x86: {  	_ =	shalt  }
0x87: {  	_ =	shalt  }
.Lfunc_end0:
.L_simem_size_0:
called_computation_lowered:
.L_overlay_start_0:
0x88: {  	s2 =	sld [smem:$0x3FD9]  }
0x89: {  	s3 =	sld [smem:$0x3FFE];
	_ =	sdelay $0x1  }
0x8a: {  	s1 =	srdreg.scid  }
0x8b: {  	s0 =	sand.u32 $0x1, s1  }
0x8c: {  	s17 =	sshll.u32 s0, $0xA;
	s2 =	sadd.s32 s3, s2  }
0x8d: {  	s2 =	sadd.s32 s2, s17  }
0x8e: {  	[smem:$0x3FC7] =	sst s2  }
0x8f: {  	_ = 	snop  }
0x90: {  	s2 =	sld [smem:$0x3FD0];
	(tm) =	ssettm $0x1  }
0x91: {  	s18 =	sld [smem:$0x3FFB];
	_ =	sdelay $0x3  }
0x92: {  	_ =	strace s18  }
0x93: {  	s3 =	sld [smem:$0x3FFC];
	_ =	sdelay $0x3  }
0x94: {  	_ =	strace s3  }
0x95: {  	s3 =	sld [smem:$0x3FFD];
	_ =	sdelay $0x3  }
0x96: {  	_ =	strace s3  }
0x97: {  	_ =	strace $0x8FFFFFFF  }
0x98: {  	s19 =	sld [smem:$0x3FDB];
	_ =	sdelay $0x1  }
0x99: {  	s4 =	simm.s32 $_scs_section_size  }
0x9a: {  	s5 =	simm.s32 $_size__tile_overlayer_lowered;
	s6 =	simm.s32 $_tile_overlayer_lowered  }
0x9b: {  	s22 =	simm.s32 $0x1BFF;
	s21 =	sshll.u32 s6, $0x1;
	s3 =	sadd.s32 s4, s19  }
0x9c: {  	s7 =	simm.s32 $0x0;
	s20 =	sshll.u32 s5, $0x1;
	s5 =	sadd.s32 s21, s3  }
0x9d: {  	[timem:s7], [sflag:s22] =	dma.local [hbm:s5], s20  }
0x9e: {  	_ =	swait.ge [sflag:s22], s20  }
0x9f: {  	s4 =	ssub.s32 $0x0, s20;
	[sflag:s22] =	ssyncset.done $0x0  }
0xa0: {  	[sflag:s22] =	ssyncadd.s32 s4;
	_ =	sdelay $0x1  }
0xa1: {  	s23 =	simm.s32 $0x1B8B  }
0xa2: {  	_ =	swait.ge [sflag:s23], $0x1  }
0xa3: {  	[sflag:s23] =	ssyncset.done $0x0  }
0xa4: {  	s25 =	simm.s32 $0x1B8E;
	s24 =	sld [smem:$0x3FFE];
	[sflag:s23] =	ssyncadd.s32 $0xFFFFFFFF  }
0xa5: {  	s26 =	simm.s32 $execute0_lowered;
	[smem:$0x3FD2] =	sst s25  }
0xa6: {  	s5 =	sshll.u32 s26, $0x1;
	_ =	strace $0x80000046;
	[dreg:$0x1] =	wrdreg $0xFFFFFFFF  }
0xa7: {  	s28 =	simm.s32 $_size_execute0_lowered;
	s3 =	sadd.s32 s3, s5;
	[dreg:$0x0] =	wrdreg $0x0  }
0xa8: {  	s5 =	sshll.u32 s28, $0x1;
	[dreg:$0x2] =	wrdreg s3  }
0xa9: {  	[dreg:$0x3] =	wrdreg s5  }
0xaa: {  	[dreg:$0x4] =	wrdreg $0xC0  }
0xab: {  	_ =	task [dreg:s7], $0x5FFFF  }
0xac: {  	[dreg:$0x1] =	wrdreg $0xFFFFFFFF  }
0xad: {  	[dreg:$0x0] =	wrdreg $0x60  }
0xae: {  	[dreg:$0x2] =	wrdreg s2  }
0xaf: {  	[dreg:$0x3] =	wrdreg s24  }
0xb0: {  	[dreg:$0x4] =	wrdreg $0x9  }
0xb1: {  	_ =	task.clear_ibuf [dreg:s7], $0x5FFFF;
	_ =	strace $0x90000046  }
0xb2: {  	s29 =	simm.s32 $0x9;
	_ =	strace $0x80000048  }
0xb3: {  	_ =	swait.ge [sflag:s29], $0x1  }
0xb4: {  	[sflag:s29] =	ssyncadd.s32 $0xFFFFFFFF  }
0xb5: {  	_ =	strace $0x90000048  }
0xb6: {  	_ =	sfence  }
0xb7: {  	s30 =	sld [smem:$0x0];
	_ =	sdelay $0x2  }
0xb8: {  	s31 =	sshll.u32 s1, $0xD;
	s1 =	sshrl.u32 s1, $0x2  }
0xb9: {  	s3 =	sand.u32 $0x4000, s31;
	s1 =	sadd.s32 s1, s30  }
0xba: {  	s0 =	sor.u32 s3, s0;
	s1 =	sshll.u32 s1, $0x11  }
0xbb: {  	s0 =	sor.u32 s1, s0  }
0xbc: {  	s0 =	sadd.s32 $0x8F2B, s0  }
0xbd: {  	[sflag:s0] =	ssyncadd.remote.s32 $0x1  }
0xbe: {  	_ =	sfence.sel $0xFFFF  }
0xbf: {  	[dreg:$0x0] =	wrdreg $0xFFFFFFFF;
	(pc) =	sbr.abs _section_cstart, $3  }
0xc0: {  	[dreg:$0x1] =	wrdreg $0xFFFFFFFF  }
0xc1: {  	_ =	task.clear_ibuf [dreg:s7], $0x2FFFF;
	_ =	strace $0x9FFFFFFF  }
0xc2: {  	(tm) =	ssettm $0x7FFFFFFF  }
0xc3: {  	_ =	shalt  }
tec
execute0_lowered:
.L_overlay_start_1:
0x0: {  	(tag) =	ssettag $0x1  }
0x1: {  	s1 =	srdreg.scid;
	s0 =	stileid.u32  }
0x2: {  	s1 =	sand.u32 $0x1, s1;
	s2 =	sshll.u32 s0, $0x1  }
0x3: {  	s2 =	sor.u32 s1, s2  }
0x4: {  	s29 =	rddreg [dreg:$0x0];
	s3 =	smul.u32 $0x93000, s2  }
0x5: {  	s6 =	rddreg [dreg:$0x1]  }
0x6: {  	[dreg:$0x4] =	wrdreg s1;
	s2 =	simm.s32 $0x0;
	s30 =	sshrl.u32 s3, $0x3  }
0x7: {  	[smem:$0x7FF] =	sst s2;
	s3 =	sadd.s32 s29, s30  }
0x8: {  	_ =	strace $0x80000047;
	[dreg:$0x3] =	wrdreg s3  }
0x9: {  	s10 =	sadd.s32 $0x1880, s30;
	s3 =	rddreg [dreg:$0x3]  }
0xa: {  	[tilespmem:s2], [sflag:$0x1] =	stream.linear.gather [hbm4b:s3+s2], $0xC400, $0x38;
	[tilespmem:$0x18800] =	vst v63  }
0xb: {  	s4 =	simm.s32 $0xC400;
	s5 =	simm.s32 $0x1;
	s3 =	sadd.s32 s29, s10  }
0xc: {  	[tilespmem:s4], [sflag:$0x2] =	stream.linear.gather [hbm4b:s3+s2], $0xC400, $0x38;
	[tilespmem:$0x18800] =	vst v63  }
0xd: {  	_ =	swait.ge [sflag:s5], $0xC400  }
0xe: {  	s31 =	sadd.s32 $0x400, s6;
	[sflag:s5] =	ssyncset.done $0x0  }
0xf: {  	s7 =	simm.s32 $0x3;
	s6 =	sadd.s32 s31, s30;
	[sflag:s5] =	ssyncadd.s32 $0xFFFF3C00  }
0x10: {  	[hbm4b:s6+s2] =	stream.linear.scatter [tilespmem:s2], [sflag:$0x3], $0xC400, $0x38;
	[tilespmem:$0x18800] =	vst v63  }
0x11: {  	_ =	swait.ge [sflag:s7], $0xC400  }
0x12: {  	s13 =	sadd.s32 $0x3100, s30;
	[sflag:s7] =	ssyncset.done $0x0  }
0x13: {  	s9 =	simm.s32 $0x2;
	s8 =	sadd.s32 s29, s13;
	[sflag:s7] =	ssyncadd.s32 $0xFFFF3C00  }
0x14: {  	[tilespmem:s2], [sflag:$0x1] =	stream.linear.gather [hbm4b:s8+s2], $0xC400, $0x38;
	[tilespmem:$0x18800] =	vst v63  }
0x15: {  	_ =	swait.ge [sflag:s9], $0xC400  }
0x16: {  	[sflag:s9] =	ssyncset.done $0x0  }
0x17: {  	s11 =	sadd.s32 s31, s10;
	s10 =	simm.s32 $0x4;
	[sflag:s9] =	ssyncadd.s32 $0xFFFF3C00  }
0x18: {  	[hbm4b:s11+s2] =	stream.linear.scatter [tilespmem:s4], [sflag:$0x4], $0xC400, $0x38;
	[tilespmem:$0x18800] =	vst v63  }
0x19: {  	_ =	swait.ge [sflag:s10], $0xC400  }
0x1a: {  	s15 =	sadd.s32 $0x4980, s30;
	[sflag:s10] =	ssyncset.done $0x0  }
0x1b: {  	s12 =	sadd.s32 s29, s15;
	[sflag:s10] =	ssyncadd.s32 $0xFFFF3C00  }
0x1c: {  	[tilespmem:s4], [sflag:$0x2] =	stream.linear.gather [hbm4b:s12+s2], $0xC400, $0x38;
	[tilespmem:$0x18800] =	vst v63  }
0x1d: {  	_ =	swait.ge [sflag:s5], $0xC400  }
0x1e: {  	[sflag:s5] =	ssyncset.done $0x0  }
0x1f: {  	s13 =	sadd.s32 s31, s13;
	[sflag:s5] =	ssyncadd.s32 $0xFFFF3C00  }
0x20: {  	[hbm4b:s13+s2] =	stream.linear.scatter [tilespmem:s2], [sflag:$0x3], $0xC400, $0x38;
	[tilespmem:$0x18800] =	vst v63  }
0x21: {  	_ =	swait.ge [sflag:s7], $0xC400  }
0x22: {  	s17 =	sadd.s32 $0x6200, s30;
	[sflag:s7] =	ssyncset.done $0x0  }
0x23: {  	s14 =	sadd.s32 s29, s17;
	[sflag:s7] =	ssyncadd.s32 $0xFFFF3C00  }
0x24: {  	[tilespmem:s2], [sflag:$0x1] =	stream.linear.gather [hbm4b:s14+s2], $0xC400, $0x38;
	[tilespmem:$0x18800] =	vst v63  }
0x25: {  	_ =	swait.ge [sflag:s9], $0xC400  }
0x26: {  	[sflag:s9] =	ssyncset.done $0x0  }
0x27: {  	s15 =	sadd.s32 s31, s15;
	[sflag:s9] =	ssyncadd.s32 $0xFFFF3C00  }
0x28: {  	[hbm4b:s15+s2] =	stream.linear.scatter [tilespmem:s4], [sflag:$0x4], $0xC400, $0x38;
	[tilespmem:$0x18800] =	vst v63  }
0x29: {  	_ =	swait.ge [sflag:s10], $0xC400  }
0x2a: {  	s19 =	sadd.s32 $0x7A80, s30;
	[sflag:s10] =	ssyncset.done $0x0  }
0x2b: {  	s16 =	sadd.s32 s29, s19;
	[sflag:s10] =	ssyncadd.s32 $0xFFFF3C00  }
0x2c: {  	[tilespmem:s4], [sflag:$0x2] =	stream.linear.gather [hbm4b:s16+s2], $0xC400, $0x38;
	[tilespmem:$0x18800] =	vst v63  }
0x2d: {  	_ =	swait.ge [sflag:s5], $0xC400  }
0x2e: {  	[sflag:s5] =	ssyncset.done $0x0  }
0x2f: {  	s17 =	sadd.s32 s31, s17;
	[sflag:s5] =	ssyncadd.s32 $0xFFFF3C00  }
0x30: {  	[hbm4b:s17+s2] =	stream.linear.scatter [tilespmem:s2], [sflag:$0x3], $0xC400, $0x38;
	[tilespmem:$0x18800] =	vst v63  }
0x31: {  	_ =	swait.ge [sflag:s7], $0xC400  }
0x32: {  	s21 =	sadd.s32 $0x9300, s30;
	[sflag:s7] =	ssyncset.done $0x0  }
0x33: {  	s18 =	sadd.s32 s29, s21;
	[sflag:s7] =	ssyncadd.s32 $0xFFFF3C00  }
0x34: {  	[tilespmem:s2], [sflag:$0x1] =	stream.linear.gather [hbm4b:s18+s2], $0xC400, $0x38;
	[tilespmem:$0x18800] =	vst v63  }
0x35: {  	_ =	swait.ge [sflag:s9], $0xC400  }
0x36: {  	[sflag:s9] =	ssyncset.done $0x0  }
0x37: {  	s19 =	sadd.s32 s31, s19;
	[sflag:s9] =	ssyncadd.s32 $0xFFFF3C00  }
0x38: {  	[hbm4b:s19+s2] =	stream.linear.scatter [tilespmem:s4], [sflag:$0x4], $0xC400, $0x38;
	[tilespmem:$0x18800] =	vst v63  }
0x39: {  	_ =	swait.ge [sflag:s10], $0xC400  }
0x3a: {  	s23 =	sadd.s32 $0xAB80, s30;
	[sflag:s10] =	ssyncset.done $0x0  }
0x3b: {  	s20 =	sadd.s32 s29, s23;
	[sflag:s10] =	ssyncadd.s32 $0xFFFF3C00  }
0x3c: {  	[tilespmem:s4], [sflag:$0x2] =	stream.linear.gather [hbm4b:s20+s2], $0xC400, $0x38;
	[tilespmem:$0x18800] =	vst v63  }
0x3d: {  	_ =	swait.ge [sflag:s5], $0xC400  }
0x3e: {  	[sflag:s5] =	ssyncset.done $0x0  }
0x3f: {  	s21 =	sadd.s32 s31, s21;
	[sflag:s5] =	ssyncadd.s32 $0xFFFF3C00  }
0x40: {  	[hbm4b:s21+s2] =	stream.linear.scatter [tilespmem:s2], [sflag:$0x3], $0xC400, $0x38;
	[tilespmem:$0x18800] =	vst v63  }
0x41: {  	_ =	swait.ge [sflag:s7], $0xC400  }
0x42: {  	s25 =	sadd.s32 $0xC400, s30;
	[sflag:s7] =	ssyncset.done $0x0  }
0x43: {  	s22 =	sadd.s32 s29, s25;
	[sflag:s7] =	ssyncadd.s32 $0xFFFF3C00  }
0x44: {  	[tilespmem:s2], [sflag:$0x1] =	stream.linear.gather [hbm4b:s22+s2], $0xC400, $0x38;
	[tilespmem:$0x18800] =	vst v63  }
0x45: {  	_ =	swait.ge [sflag:s9], $0xC400  }
0x46: {  	[sflag:s9] =	ssyncset.done $0x0  }
0x47: {  	s23 =	sadd.s32 s31, s23;
	[sflag:s9] =	ssyncadd.s32 $0xFFFF3C00  }
0x48: {  	[hbm4b:s23+s2] =	stream.linear.scatter [tilespmem:s4], [sflag:$0x4], $0xC400, $0x38;
	[tilespmem:$0x18800] =	vst v63  }
0x49: {  	_ =	swait.ge [sflag:s10], $0xC400  }
0x4a: {  	s28 =	sadd.s32 $0xDC80, s30;
	[sflag:s10] =	ssyncset.done $0x0  }
0x4b: {  	s24 =	sadd.s32 s29, s28;
	[sflag:s10] =	ssyncadd.s32 $0xFFFF3C00  }
0x4c: {  	[tilespmem:s4], [sflag:$0x2] =	stream.linear.gather [hbm4b:s24+s2], $0xC400, $0x38;
	[tilespmem:$0x18800] =	vst v63  }
0x4d: {  	_ =	swait.ge [sflag:s5], $0xC400  }
0x4e: {  	[sflag:s5] =	ssyncset.done $0x0  }
0x4f: {  	s25 =	sadd.s32 s31, s25;
	[sflag:s5] =	ssyncadd.s32 $0xFFFF3C00  }
0x50: {  	[hbm4b:s25+s2] =	stream.linear.scatter [tilespmem:s2], [sflag:$0x3], $0xC400, $0x38;
	[tilespmem:$0x18800] =	vst v63  }
0x51: {  	_ =	swait.ge [sflag:s7], $0xC400  }
0x52: {  	s1 =	sadd.s32 $0xF500, s30;
	[sflag:s7] =	ssyncset.done $0x0  }
0x53: {  	s26 =	sadd.s32 s29, s1;
	[sflag:s7] =	ssyncadd.s32 $0xFFFF3C00  }
0x54: {  	[tilespmem:s2], [sflag:$0x1] =	stream.linear.gather [hbm4b:s26+s2], $0xC400, $0x38;
	[tilespmem:$0x18800] =	vst v63  }
0x55: {  	_ =	swait.ge [sflag:s9], $0xC400  }
0x56: {  	[sflag:s9] =	ssyncset.done $0x0  }
0x57: {  	s28 =	sadd.s32 s31, s28;
	[sflag:s9] =	ssyncadd.s32 $0xFFFF3C00  }
0x58: {  	[hbm4b:s28+s2] =	stream.linear.scatter [tilespmem:s4], [sflag:$0x4], $0xC400, $0x38;
	[tilespmem:$0x18800] =	vst v63  }
0x59: {  	_ =	swait.ge [sflag:s10], $0xC400  }
0x5a: {  	s0 =	sadd.s32 $0x10D80, s30;
	[sflag:s10] =	ssyncset.done $0x0  }
0x5b: {  	s29 =	sadd.s32 s29, s0;
	[sflag:s10] =	ssyncadd.s32 $0xFFFF3C00  }
0x5c: {  	[tilespmem:s4], [sflag:$0x2] =	stream.linear.gather [hbm4b:s29+s2], $0xC400, $0x38;
	[tilespmem:$0x18800] =	vst v63  }
0x5d: {  	_ =	swait.ge [sflag:s5], $0xC400  }
0x5e: {  	[sflag:s5] =	ssyncset.done $0x0  }
0x5f: {  	s30 =	sadd.s32 s31, s1;
	[sflag:s5] =	ssyncadd.s32 $0xFFFF3C00  }
0x60: {  	[hbm4b:s30+s2] =	stream.linear.scatter [tilespmem:s2], [sflag:$0x3], $0xC400, $0x38;
	[tilespmem:$0x18800] =	vst v63  }
0x61: {  	_ =	swait.ge [sflag:s9], $0xC400  }
0x62: {  	[sflag:s9] =	ssyncset.done $0x0;
	s1 =	rddreg [dreg:$0x4]  }
0x63: {  	s31 =	sadd.s32 s31, s0;
	s0 =	ssub.s32 $0x2, s1;
	[sflag:s9] =	ssyncadd.s32 $0xFFFF3C00  }
0x64: {  	[hbm4b:s31+s2] =	stream.linear.scatter [tilespmem:s4], [sflag:$0x4], $0xC400, $0x38;
	[tilespmem:$0x18800] =	vst v63  }
0x65: {  	s1 =	sshrl.u32 s0, $0x1  }
0x66: {  	s0 =	ssub.s32 s0, s1  }
0x67: {  	s0 =	smax.u32 s0, $0x1  }
0x68: {  	p0 =	sne.s32 s0, $0x1  }
.Ltmp0:
0x69: {  	_ =	swait.ge [sflag:s7], $0xC400;
	(pc) =	sbr.rel @!p0 .LBB2_2-.Ltmp0, $4  }
0x6a: {  	[sflag:s7] =	ssyncset.done $0x0  }
0x6b: {  	[sflag:s7] =	ssyncadd.s32 $0xFFFF3C00  }
0x6c: {  	_ =	swait.ge [sflag:s10], $0xC400  }
0x6d: {  	s1 =	sadd.s32 $0xFFFFFFFF, s0;
	[sflag:s10] =	ssyncset.done $0x0  }
.LBB2_1:
0x6e: {  	s0 =	rddreg [dreg:$0x3];
	[sflag:s10] =	ssyncadd.s32 $0xFFFF3C00  }
0x6f: {  	[tilespmem:s2], [sflag:$0x1] =	stream.linear.gather [hbm4b:s0+s2], $0xC400, $0x38;
	[tilespmem:$0x18800] =	vst v63  }
0x70: {  	_ = 	snop  }
0x71: {  	[tilespmem:s4], [sflag:$0x2] =	stream.linear.gather [hbm4b:s3+s2], $0xC400, $0x38;
	[tilespmem:$0x18800] =	vst v63  }
0x72: {  	_ =	swait.ge [sflag:s5], $0xC400  }
0x73: {  	[sflag:s5] =	ssyncset.done $0x0  }
0x74: {  	[sflag:s5] =	ssyncadd.s32 $0xFFFF3C00  }
0x75: {  	[hbm4b:s6+s2] =	stream.linear.scatter [tilespmem:s2], [sflag:$0x3], $0xC400, $0x38;
	[tilespmem:$0x18800] =	vst v63  }
0x76: {  	_ =	swait.ge [sflag:s7], $0xC400  }
0x77: {  	[sflag:s7] =	ssyncset.done $0x0  }
0x78: {  	[sflag:s7] =	ssyncadd.s32 $0xFFFF3C00  }
0x79: {  	[tilespmem:s2], [sflag:$0x1] =	stream.linear.gather [hbm4b:s8+s2], $0xC400, $0x38;
	[tilespmem:$0x18800] =	vst v63  }
0x7a: {  	_ =	swait.ge [sflag:s9], $0xC400  }
0x7b: {  	[sflag:s9] =	ssyncset.done $0x0  }
0x7c: {  	[sflag:s9] =	ssyncadd.s32 $0xFFFF3C00  }
0x7d: {  	[hbm4b:s11+s2] =	stream.linear.scatter [tilespmem:s4], [sflag:$0x4], $0xC400, $0x38;
	[tilespmem:$0x18800] =	vst v63  }
0x7e: {  	_ =	swait.ge [sflag:s10], $0xC400  }
0x7f: {  	[sflag:s10] =	ssyncset.done $0x0  }
0x80: {  	[sflag:s10] =	ssyncadd.s32 $0xFFFF3C00  }
0x81: {  	[tilespmem:s4], [sflag:$0x2] =	stream.linear.gather [hbm4b:s12+s2], $0xC400, $0x38;
	[tilespmem:$0x18800] =	vst v63  }
0x82: {  	_ =	swait.ge [sflag:s5], $0xC400  }
0x83: {  	[sflag:s5] =	ssyncset.done $0x0  }
0x84: {  	[sflag:s5] =	ssyncadd.s32 $0xFFFF3C00  }
0x85: {  	[hbm4b:s13+s2] =	stream.linear.scatter [tilespmem:s2], [sflag:$0x3], $0xC400, $0x38;
	[tilespmem:$0x18800] =	vst v63  }
0x86: {  	_ =	swait.ge [sflag:s7], $0xC400  }
0x87: {  	[sflag:s7] =	ssyncset.done $0x0  }
0x88: {  	[sflag:s7] =	ssyncadd.s32 $0xFFFF3C00  }
0x89: {  	[tilespmem:s2], [sflag:$0x1] =	stream.linear.gather [hbm4b:s14+s2], $0xC400, $0x38;
	[tilespmem:$0x18800] =	vst v63  }
0x8a: {  	_ =	swait.ge [sflag:s9], $0xC400  }
0x8b: {  	[sflag:s9] =	ssyncset.done $0x0  }
0x8c: {  	[sflag:s9] =	ssyncadd.s32 $0xFFFF3C00  }
0x8d: {  	[hbm4b:s15+s2] =	stream.linear.scatter [tilespmem:s4], [sflag:$0x4], $0xC400, $0x38;
	[tilespmem:$0x18800] =	vst v63  }
0x8e: {  	_ =	swait.ge [sflag:s10], $0xC400  }
0x8f: {  	[sflag:s10] =	ssyncset.done $0x0  }
0x90: {  	[sflag:s10] =	ssyncadd.s32 $0xFFFF3C00  }
0x91: {  	[tilespmem:s4], [sflag:$0x2] =	stream.linear.gather [hbm4b:s16+s2], $0xC400, $0x38;
	[tilespmem:$0x18800] =	vst v63  }
0x92: {  	_ =	swait.ge [sflag:s5], $0xC400  }
0x93: {  	[sflag:s5] =	ssyncset.done $0x0  }
0x94: {  	[sflag:s5] =	ssyncadd.s32 $0xFFFF3C00  }
0x95: {  	[hbm4b:s17+s2] =	stream.linear.scatter [tilespmem:s2], [sflag:$0x3], $0xC400, $0x38;
	[tilespmem:$0x18800] =	vst v63  }
0x96: {  	_ =	swait.ge [sflag:s7], $0xC400  }
0x97: {  	[sflag:s7] =	ssyncset.done $0x0  }
0x98: {  	[sflag:s7] =	ssyncadd.s32 $0xFFFF3C00  }
0x99: {  	[tilespmem:s2], [sflag:$0x1] =	stream.linear.gather [hbm4b:s18+s2], $0xC400, $0x38;
	[tilespmem:$0x18800] =	vst v63  }
0x9a: {  	_ =	swait.ge [sflag:s9], $0xC400  }
0x9b: {  	[sflag:s9] =	ssyncset.done $0x0  }
0x9c: {  	[sflag:s9] =	ssyncadd.s32 $0xFFFF3C00  }
0x9d: {  	[hbm4b:s19+s2] =	stream.linear.scatter [tilespmem:s4], [sflag:$0x4], $0xC400, $0x38;
	[tilespmem:$0x18800] =	vst v63  }
0x9e: {  	_ =	swait.ge [sflag:s10], $0xC400  }
0x9f: {  	[sflag:s10] =	ssyncset.done $0x0  }
0xa0: {  	[sflag:s10] =	ssyncadd.s32 $0xFFFF3C00  }
0xa1: {  	[tilespmem:s4], [sflag:$0x2] =	stream.linear.gather [hbm4b:s20+s2], $0xC400, $0x38;
	[tilespmem:$0x18800] =	vst v63  }
0xa2: {  	_ =	swait.ge [sflag:s5], $0xC400  }
0xa3: {  	[sflag:s5] =	ssyncset.done $0x0  }
0xa4: {  	[sflag:s5] =	ssyncadd.s32 $0xFFFF3C00  }
0xa5: {  	[hbm4b:s21+s2] =	stream.linear.scatter [tilespmem:s2], [sflag:$0x3], $0xC400, $0x38;
	[tilespmem:$0x18800] =	vst v63  }
0xa6: {  	_ =	swait.ge [sflag:s7], $0xC400  }
0xa7: {  	[sflag:s7] =	ssyncset.done $0x0  }
0xa8: {  	[sflag:s7] =	ssyncadd.s32 $0xFFFF3C00  }
0xa9: {  	[tilespmem:s2], [sflag:$0x1] =	stream.linear.gather [hbm4b:s22+s2], $0xC400, $0x38;
	[tilespmem:$0x18800] =	vst v63  }
0xaa: {  	_ =	swait.ge [sflag:s9], $0xC400  }
0xab: {  	[sflag:s9] =	ssyncset.done $0x0  }
0xac: {  	[sflag:s9] =	ssyncadd.s32 $0xFFFF3C00  }
0xad: {  	[hbm4b:s23+s2] =	stream.linear.scatter [tilespmem:s4], [sflag:$0x4], $0xC400, $0x38;
	[tilespmem:$0x18800] =	vst v63  }
0xae: {  	_ =	swait.ge [sflag:s10], $0xC400  }
0xaf: {  	[sflag:s10] =	ssyncset.done $0x0  }
0xb0: {  	[sflag:s10] =	ssyncadd.s32 $0xFFFF3C00  }
0xb1: {  	[tilespmem:s4], [sflag:$0x2] =	stream.linear.gather [hbm4b:s24+s2], $0xC400, $0x38;
	[tilespmem:$0x18800] =	vst v63  }
0xb2: {  	_ =	swait.ge [sflag:s5], $0xC400  }
0xb3: {  	[sflag:s5] =	ssyncset.done $0x0  }
0xb4: {  	[sflag:s5] =	ssyncadd.s32 $0xFFFF3C00  }
0xb5: {  	[hbm4b:s25+s2] =	stream.linear.scatter [tilespmem:s2], [sflag:$0x3], $0xC400, $0x38;
	[tilespmem:$0x18800] =	vst v63  }
0xb6: {  	_ =	swait.ge [sflag:s7], $0xC400  }
0xb7: {  	[sflag:s7] =	ssyncset.done $0x0  }
0xb8: {  	[sflag:s7] =	ssyncadd.s32 $0xFFFF3C00  }
0xb9: {  	[tilespmem:s2], [sflag:$0x1] =	stream.linear.gather [hbm4b:s26+s2], $0xC400, $0x38;
	[tilespmem:$0x18800] =	vst v63  }
0xba: {  	_ =	swait.ge [sflag:s9], $0xC400  }
0xbb: {  	[sflag:s9] =	ssyncset.done $0x0  }
0xbc: {  	[sflag:s9] =	ssyncadd.s32 $0xFFFF3C00  }
0xbd: {  	[hbm4b:s28+s2] =	stream.linear.scatter [tilespmem:s4], [sflag:$0x4], $0xC400, $0x38;
	[tilespmem:$0x18800] =	vst v63  }
0xbe: {  	_ =	swait.ge [sflag:s10], $0xC400  }
0xbf: {  	[sflag:s10] =	ssyncset.done $0x0  }
0xc0: {  	[sflag:s10] =	ssyncadd.s32 $0xFFFF3C00  }
0xc1: {  	[tilespmem:s4], [sflag:$0x2] =	stream.linear.gather [hbm4b:s29+s2], $0xC400, $0x38;
	[tilespmem:$0x18800] =	vst v63  }
0xc2: {  	_ =	swait.ge [sflag:s5], $0xC400  }
0xc3: {  	[sflag:s5] =	ssyncset.done $0x0  }
0xc4: {  	[sflag:s5] =	ssyncadd.s32 $0xFFFF3C00  }
0xc5: {  	[hbm4b:s30+s2] =	stream.linear.scatter [tilespmem:s2], [sflag:$0x3], $0xC400, $0x38;
	[tilespmem:$0x18800] =	vst v63  }
0xc6: {  	_ =	swait.ge [sflag:s9], $0xC400  }
0xc7: {  	[sflag:s9] =	ssyncset.done $0x0  }
0xc8: {  	p0 =	sne.s32 s1, $0x1;
	[sflag:s9] =	ssyncadd.s32 $0xFFFF3C00  }
0xc9: {  	[hbm4b:s31+s2] =	stream.linear.scatter [tilespmem:s4], [sflag:$0x4], $0xC400, $0x38;
	[tilespmem:$0x18800] =	vst v63  }
.Ltmp1:
0xca: {  	_ =	swait.ge [sflag:s7], $0xC400;
	(pc) =	sbr.rel @p0 .LBB2_1-.Ltmp1, $4  }
0xcb: {  	[sflag:s7] =	ssyncset.done $0x0  }
0xcc: {  	[sflag:s7] =	ssyncadd.s32 $0xFFFF3C00  }
0xcd: {  	_ =	swait.ge [sflag:s10], $0xC400  }
0xce: {  	s1 =	sadd.s32 $0xFFFFFFFF, s1;
	[sflag:s10] =	ssyncset.done $0x0  }
.LBB2_2:
0xcf: {  	[sflag:s10] =	ssyncadd.s32 $0xFFFF3C00  }
0xd0: {  	_ =	sfence.sel $0x180000  }
0xd1: {  	[bflag:$0x0] =	sbarrier.arrive $0xFFFF  }
0xd2: {  	_ =	strace $0x90000047  }
0xd3: {  	s0 =	stileid.u32;
	[bflag:$0x2] =	sbarrier.arrive $0xFFFF  }
0xd4: {  	p0 =	sne.s32 s0, $0x0;
	s0 =	rddreg [dreg:$0x2]  }
0xd5: {  	s0 =	sadd.s32 @!p0 $0x100000, s0  }
0xd6: {  	[sflag:s0] =	ssyncadd.tile.s32 @!p0 $0x1;
	_ =	shalt  }
.Lfunc_end2:
_tile_overlayer_lowered:
.L_overlay_start_2:
0xd7: {  	(tag) =	ssettag $0x2  }
0xd8: {  	s0 =	rddreg [dreg:$0x0];
	s2 =	stileid.u32  }
0xd9: {  	s1 =	rddreg [dreg:$0x1];
	p0 =	sne.s32 s2, $0x0  }
0xda: {  	s3 =	rddreg [dreg:$0x2];
	[bflag:$0x3] =	sbarrier.arrive $0xFFFF;
	s2 =	simm.s32 @!p0 $0x1C05  }
0xdb: {  	[timem:s3], [sflag:s2] =	dma.local @!p0 [hbm:s0], s1  }
0xdc: {  	s0 =	simm.s32 @!p0 $0x5  }
0xdd: {  	_ =	swait.ge @!p0 [sflag:s0], s1  }
0xde: {  	s1 =	ssub.s32 @!p0 $0x0, s1;
	[sflag:s0] =	ssyncset.done @!p0 $0x0  }
0xdf: {  	[sflag:s0] =	ssyncadd.s32 @!p0 s1  }
0xe0: {  	[bflag:$0x3] =	sbarrier.arrive $0xFFFF  }
0xe1: {  	_ =	shalt  }

</sc_bundles>
